<compile_context>
chip_gen: v7x
topology: tpu7x:2x2x1
jax: 0.10.2.dev20260603
libtpu: 0.0.44.dev20260713+nightly
codegen_flags: <defaults>
</compile_context>

<pallas_src>
import functools

import jax
import jax.numpy as jnp
from jax import lax
from jax.experimental import pallas as pl
from jax.experimental.pallas import tpu as pltpu
from jax.experimental.pallas import tpu_sc as plsc

N_NODES = 100000
D = 128
G = 1024

NC = 2
NS = 16
NW = NC * NS
R = 128
NB = 782
BPT = 25
NBUF = 6
ACC_ROWS = 1152
ZROWS = ACC_ROWS // NS
LAST_START = N_NODES - R


def _sc_partials(node_feat, idx_blocks):
    mesh = plsc.VectorSubcoreMesh(core_axis_name="c", subcore_axis_name="s")

    @functools.partial(
        pl.kernel,
        out_type=jax.ShapeDtypeStruct((NC, G, D), jnp.float32),
        mesh=mesh,
        scratch_types=[
            pltpu.VMEM((NBUF, R, D), jnp.float32),
            pltpu.VMEM((BPT, R), jnp.int32),
            pltpu.VMEM((ZROWS, D), jnp.float32),
            pltpu.VMEM_SHARED((ACC_ROWS, D), jnp.float32),
            pltpu.SemaphoreType.DMA((NBUF,)),
            pltpu.SemaphoreType.DMA((NBUF,)),
            pltpu.SemaphoreType.DMA,
        ],
    )
    def body(feat_hbm, idx_hbm, out_hbm, rowbuf, idxv, zbuf, acc,
             lsem, ssem, isem):
        cid = lax.axis_index("c")
        sid = lax.axis_index("s")
        wid = cid * NS + sid

        idx_cp = pltpu.async_copy(idx_hbm.at[wid], idxv, isem)

        def load_desc(b):
            p = lax.rem(b, NBUF)
            rs = jnp.minimum((b * NW + wid) * R, LAST_START)
            return pltpu.make_async_copy(
                feat_hbm.at[pl.ds(rs, R)], rowbuf.at[p], lsem.at[p])

        def scat_desc(b):
            p = lax.rem(b, NBUF)
            return pltpu.make_async_copy(rowbuf.at[p], acc.at[idxv.at[b]],
                                         ssem.at[p])

        def start_load(b):
            @pl.when(b * NW + wid < NB)
            def _():
                load_desc(b).start()

        def wait_scatter(b):
            @pl.when(b * NW + wid < NB)
            def _():
                scat_desc(b).wait()

        start_load(0)
        start_load(1)
        start_load(2)

        def zrow(i, _):
            def zcol(j, _):
                zbuf[i, pl.ds(j * 16, 16)] = jnp.zeros((16,), jnp.float32)
                return 0
            return lax.fori_loop(0, D // 16, zcol, 0)
        lax.fori_loop(0, ZROWS, zrow, 0)
        pltpu.sync_copy(zbuf, acc.at[pl.ds(sid * ZROWS, ZROWS)])
        plsc.subcore_barrier()
        idx_cp.wait()

        def block(b, _):
            @pl.when(b >= 3)
            def _():
                wait_scatter(b - 3)
            start_load(b + 3)

            @pl.when(b * NW + wid < NB)
            def _():
                p = lax.rem(b, NBUF)
                load_desc(b).wait()
                pltpu.async_copy(rowbuf.at[p], acc.at[idxv.at[b]],
                                 ssem.at[p], add=True)
            return 0
        lax.fori_loop(0, BPT, block, 0)
        wait_scatter(BPT - 3)
        wait_scatter(BPT - 2)
        wait_scatter(BPT - 1)
        plsc.subcore_barrier()

        rows = G // NS
        pltpu.sync_copy(
            acc.at[pl.ds(sid * rows, rows)],
            out_hbm.at[cid].at[pl.ds(sid * rows, rows)],
        )

    return body(node_feat, idx_blocks)


def _sum_partials(partials):
    def add_body(p_ref, o_ref):
        o_ref[...] = p_ref[0] + p_ref[1]

    return pl.pallas_call(
        add_body,
        out_shape=jax.ShapeDtypeStruct((G, D), jnp.float32),
    )(partials)


@jax.jit
def kernel(node_feat, batch):
    bid = batch.astype(jnp.int32)
    main = bid[: (NB - 1) * R].reshape(NB - 1, R)
    tail = jnp.concatenate(
        [jnp.full((R - (N_NODES - (NB - 1) * R),), G, jnp.int32),
         bid[(NB - 1) * R:]]
    ).reshape(1, R)
    pad = jnp.full((NW * BPT - NB, R), G, jnp.int32)
    idx_blocks = (
        jnp.concatenate([main, tail, pad], axis=0)
        .reshape(BPT, NW, R)
        .transpose(1, 0, 2)
    )

    partials = _sc_partials(node_feat, idx_blocks)
    return _sum_partials(partials)

# --- scband reference (transcript-rebuilt; emitter-appended) ---
"""Pipeline reference for scband-graph-pooling-3607772529202 (READ-ONLY COPY).

The authoritative reference and input builder live on the scoring server;
editing this copy changes nothing except your own understanding.
"""

import jax, jax.numpy as jnp
import numpy as np

NUM_NODES = 100000
D_FEAT = 128
NUM_GRAPHS = 1024

def setup_inputs(seed: int = 0) -> dict:
    key = jax.random.key(seed)
    k1, k2 = jax.random.split(key)
    node_feat = jax.random.normal(k1, (NUM_NODES, D_FEAT), dtype=jnp.float32)
    batch = jnp.sort(jax.random.randint(k2, (NUM_NODES,), 0, NUM_GRAPHS, dtype=jnp.int64))
    return {"node_feat": node_feat, "batch": batch}

def reference(node_feat, batch):
    # scatter(node_feat, batch, dim=0, reduce='sum') -> segment_sum
    return jax.ops.segment_sum(node_feat, batch, num_segments=NUM_GRAPHS)

if __name__ == "__main__":
    import jax
    _d = setup_inputs()
    print(jax.jit(kernel)(*tuple(_d.values())))

</pallas_src>

<mosaic_0001>
#map = affine_map<(d0, d1) -> (0, 0)>
#map1 = affine_map<(d0, d1) -> (0, 0, 0)>
module attributes {stable_mosaic.version = 14 : i64} {
  func.func @body(%arg0: i32, %arg1: i32, %arg2: memref<100000x128xf32, #tpu.memory_space<hbm>>, %arg3: memref<32x25x128xi32, #tpu.memory_space<hbm>>, %arg4: memref<2x1024x128xf32, #tpu.memory_space<hbm>>, %arg5: memref<6x128x128xf32, #tpu.memory_space<vmem>>, %arg6: memref<25x128xi32, #tpu.memory_space<vmem>>, %arg7: memref<72x128xf32, #tpu.memory_space<vmem>>, %arg8: memref<1152x128xf32, #tpu.memory_space<vmem_shared>>, %arg9: memref<6x!tpu.dma_semaphore, #tpu.memory_space<semaphore_mem>>, %arg10: memref<6x!tpu.dma_semaphore, #tpu.memory_space<semaphore_mem>>, %arg11: memref<!tpu.dma_semaphore, #tpu.memory_space<semaphore_mem>>) attributes {dimension_semantics = [#tpu.dimension_semantics<core_parallel>, #tpu.dimension_semantics<subcore_parallel>], iteration_bounds = array<i64: 2, 16>, scalar_prefetch = 0 : i64, scratch_operands = 7 : i64, tpu.core_type = #tpu.core_type<sc_vector_subcore>, window_params = [{transform_indices = #map}, {transform_indices = #map1}, {transform_indices = #map1}]} {
    %mul3A = arith.constant 16 : i32
    %mul3A_0 = arith.muli %arg0, %mul3A : i32
    %add3A = arith.addi %mul3A_0, %arg1 : i32
    %dma_start3A = arith.constant 0 : i32
    %dma_start3A_1 = arith.constant 0 : i32
    %dma_start3A_2 = tpu.memref_slice %arg3[%add3A, %dma_start3A, %dma_start3A_1] : memref<32x25x128xi32, #tpu.memory_space<hbm>> -> memref<1x25x128xi32, #tpu.memory_space<hbm>>
    %dma_start3A_3 = tpu.memref_squeeze %dma_start3A_2 : memref<1x25x128xi32, #tpu.memory_space<hbm>> -> memref<25x128xi32, #tpu.memory_space<hbm>>
    %dma_start3A_4 = arith.constant 0 : i32
    %dma_start3A_5 = arith.constant 0 : i32
    %dma_start3A_6 = tpu.memref_slice %arg3[%add3A, %dma_start3A_4, %dma_start3A_5] : memref<32x25x128xi32, #tpu.memory_space<hbm>> -> memref<1x25x128xi32, #tpu.memory_space<hbm>>
    %dma_start3A_7 = tpu.memref_squeeze %dma_start3A_6 : memref<1x25x128xi32, #tpu.memory_space<hbm>> -> memref<25x128xi32, #tpu.memory_space<hbm>>
    tpu.enqueue_dma source(%dma_start3A_7 : memref<25x128xi32, #tpu.memory_space<hbm>>) target(%arg6 : memref<25x128xi32, #tpu.memory_space<vmem>>) target_semaphore(%arg11 : memref<!tpu.dma_semaphore, #tpu.memory_space<semaphore_mem>>)
    %add3A_8 = arith.constant 0 : i32
    %add3A_9 = arith.addi %add3A_8, %add3A : i32
    %lt3A = arith.constant 782 : i32
    %lt3A_10 = arith.cmpi slt, %add3A_9, %lt3A : i32
    %convert_element_type3A = arith.extui %lt3A_10 : i1 to i32
    %cond3A = arith.constant 0 : i32
    %cond3A_11 = arith.cmpi ne, %convert_element_type3A, %cond3A : i32
    scf.if %cond3A_11 {
      %rem3A = arith.constant 0 : i32
      %rem3A_74 = arith.constant 6 : i32
      %rem3A_75 = arith.remsi %rem3A, %rem3A_74 : i32
      %add3A_76 = arith.constant 0 : i32
      %add3A_77 = arith.addi %add3A_76, %add3A : i32
      %mul3A_78 = arith.constant 128 : i32
      %mul3A_79 = arith.muli %add3A_77, %mul3A_78 : i32
      %min3A = arith.constant 99872 : i32
      %min3A_80 = arith.minsi %mul3A_79, %min3A : i32
      %dma_start3A_81 = arith.constant 0 : i32
      %dma_start3A_82 = arith.constant 0 : i32
      %dma_start3A_83 = tpu.memref_slice %arg5[%rem3A_75, %dma_start3A_81, %dma_start3A_82] : memref<6x128x128xf32, #tpu.memory_space<vmem>> -> memref<1x128x128xf32, #tpu.memory_space<vmem>>
      %dma_start3A_84 = tpu.memref_squeeze %dma_start3A_83 : memref<1x128x128xf32, #tpu.memory_space<vmem>> -> memref<128x128xf32, #tpu.memory_space<vmem>>
      %dma_start3A_85 = arith.constant 0 : i32
      %dma_start3A_86 = tpu.memref_slice %arg2[%min3A_80, %dma_start3A_85] : memref<100000x128xf32, #tpu.memory_space<hbm>> -> memref<128x128xf32, #tpu.memory_space<hbm>>
      %dma_start3A_87 = tpu.memref_slice %arg9[%rem3A_75] : memref<6x!tpu.dma_semaphore, #tpu.memory_space<semaphore_mem>> -> memref<1x!tpu.dma_semaphore, #tpu.memory_space<semaphore_mem>>
      %dma_start3A_88 = tpu.memref_squeeze %dma_start3A_87 : memref<1x!tpu.dma_semaphore, #tpu.memory_space<semaphore_mem>> -> memref<!tpu.dma_semaphore, #tpu.memory_space<semaphore_mem>>
      %dma_start3A_89 = arith.constant 0 : i32
      %dma_start3A_90 = arith.constant 0 : i32
      %dma_start3A_91 = tpu.memref_slice %arg5[%rem3A_75, %dma_start3A_89, %dma_start3A_90] : memref<6x128x128xf32, #tpu.memory_space<vmem>> -> memref<1x128x128xf32, #tpu.memory_space<vmem>>
      %dma_start3A_92 = tpu.memref_squeeze %dma_start3A_91 : memref<1x128x128xf32, #tpu.memory_space<vmem>> -> memref<128x128xf32, #tpu.memory_space<vmem>>
      %dma_start3A_93 = arith.constant 0 : i32
      %dma_start3A_94 = tpu.memref_slice %arg2[%min3A_80, %dma_start3A_93] : memref<100000x128xf32, #tpu.memory_space<hbm>> -> memref<128x128xf32, #tpu.memory_space<hbm>>
      tpu.enqueue_dma source(%dma_start3A_94 : memref<128x128xf32, #tpu.memory_space<hbm>>) target(%dma_start3A_92 : memref<128x128xf32, #tpu.memory_space<vmem>>) target_semaphore(%dma_start3A_88 : memref<!tpu.dma_semaphore, #tpu.memory_space<semaphore_mem>>)
    } else {
    }
    %add3A_12 = arith.constant 32 : i32
    %add3A_13 = arith.addi %add3A_12, %add3A : i32
    %lt3A_14 = arith.constant 782 : i32
    %lt3A_15 = arith.cmpi slt, %add3A_13, %lt3A_14 : i32
    %convert_element_type3A_16 = arith.extui %lt3A_15 : i1 to i32
    %cond3A_17 = arith.constant 0 : i32
    %cond3A_18 = arith.cmpi ne, %convert_element_type3A_16, %cond3A_17 : i32
    scf.if %cond3A_18 {
      %rem3A = arith.constant 1 : i32
      %rem3A_74 = arith.constant 6 : i32
      %rem3A_75 = arith.remsi %rem3A, %rem3A_74 : i32
      %add3A_76 = arith.constant 32 : i32
      %add3A_77 = arith.addi %add3A_76, %add3A : i32
      %mul3A_78 = arith.constant 128 : i32
      %mul3A_79 = arith.muli %add3A_77, %mul3A_78 : i32
      %min3A = arith.constant 99872 : i32
      %min3A_80 = arith.minsi %mul3A_79, %min3A : i32
      %dma_start3A_81 = arith.constant 0 : i32
      %dma_start3A_82 = arith.constant 0 : i32
      %dma_start3A_83 = tpu.memref_slice %arg5[%rem3A_75, %dma_start3A_81, %dma_start3A_82] : memref<6x128x128xf32, #tpu.memory_space<vmem>> -> memref<1x128x128xf32, #tpu.memory_space<vmem>>
      %dma_start3A_84 = tpu.memref_squeeze %dma_start3A_83 : memref<1x128x128xf32, #tpu.memory_space<vmem>> -> memref<128x128xf32, #tpu.memory_space<vmem>>
      %dma_start3A_85 = arith.constant 0 : i32
      %dma_start3A_86 = tpu.memref_slice %arg2[%min3A_80, %dma_start3A_85] : memref<100000x128xf32, #tpu.memory_space<hbm>> -> memref<128x128xf32, #tpu.memory_space<hbm>>
      %dma_start3A_87 = tpu.memref_slice %arg9[%rem3A_75] : memref<6x!tpu.dma_semaphore, #tpu.memory_space<semaphore_mem>> -> memref<1x!tpu.dma_semaphore, #tpu.memory_space<semaphore_mem>>
      %dma_start3A_88 = tpu.memref_squeeze %dma_start3A_87 : memref<1x!tpu.dma_semaphore, #tpu.memory_space<semaphore_mem>> -> memref<!tpu.dma_semaphore, #tpu.memory_space<semaphore_mem>>
      %dma_start3A_89 = arith.constant 0 : i32
      %dma_start3A_90 = arith.constant 0 : i32
      %dma_start3A_91 = tpu.memref_slice %arg5[%rem3A_75, %dma_start3A_89, %dma_start3A_90] : memref<6x128x128xf32, #tpu.memory_space<vmem>> -> memref<1x128x128xf32, #tpu.memory_space<vmem>>
      %dma_start3A_92 = tpu.memref_squeeze %dma_start3A_91 : memref<1x128x128xf32, #tpu.memory_space<vmem>> -> memref<128x128xf32, #tpu.memory_space<vmem>>
      %dma_start3A_93 = arith.constant 0 : i32
      %dma_start3A_94 = tpu.memref_slice %arg2[%min3A_80, %dma_start3A_93] : memref<100000x128xf32, #tpu.memory_space<hbm>> -> memref<128x128xf32, #tpu.memory_space<hbm>>
      tpu.enqueue_dma source(%dma_start3A_94 : memref<128x128xf32, #tpu.memory_space<hbm>>) target(%dma_start3A_92 : memref<128x128xf32, #tpu.memory_space<vmem>>) target_semaphore(%dma_start3A_88 : memref<!tpu.dma_semaphore, #tpu.memory_space<semaphore_mem>>)
    } else {
    }
    %add3A_19 = arith.constant 64 : i32
    %add3A_20 = arith.addi %add3A_19, %add3A : i32
    %lt3A_21 = arith.constant 782 : i32
    %lt3A_22 = arith.cmpi slt, %add3A_20, %lt3A_21 : i32
    %convert_element_type3A_23 = arith.extui %lt3A_22 : i1 to i32
    %cond3A_24 = arith.constant 0 : i32
    %cond3A_25 = arith.cmpi ne, %convert_element_type3A_23, %cond3A_24 : i32
    scf.if %cond3A_25 {
      %rem3A = arith.constant 2 : i32
      %rem3A_74 = arith.constant 6 : i32
      %rem3A_75 = arith.remsi %rem3A, %rem3A_74 : i32
      %add3A_76 = arith.constant 64 : i32
      %add3A_77 = arith.addi %add3A_76, %add3A : i32
      %mul3A_78 = arith.constant 128 : i32
      %mul3A_79 = arith.muli %add3A_77, %mul3A_78 : i32
      %min3A = arith.constant 99872 : i32
      %min3A_80 = arith.minsi %mul3A_79, %min3A : i32
      %dma_start3A_81 = arith.constant 0 : i32
      %dma_start3A_82 = arith.constant 0 : i32
      %dma_start3A_83 = tpu.memref_slice %arg5[%rem3A_75, %dma_start3A_81, %dma_start3A_82] : memref<6x128x128xf32, #tpu.memory_space<vmem>> -> memref<1x128x128xf32, #tpu.memory_space<vmem>>
      %dma_start3A_84 = tpu.memref_squeeze %dma_start3A_83 : memref<1x128x128xf32, #tpu.memory_space<vmem>> -> memref<128x128xf32, #tpu.memory_space<vmem>>
      %dma_start3A_85 = arith.constant 0 : i32
      %dma_start3A_86 = tpu.memref_slice %arg2[%min3A_80, %dma_start3A_85] : memref<100000x128xf32, #tpu.memory_space<hbm>> -> memref<128x128xf32, #tpu.memory_space<hbm>>
      %dma_start3A_87 = tpu.memref_slice %arg9[%rem3A_75] : memref<6x!tpu.dma_semaphore, #tpu.memory_space<semaphore_mem>> -> memref<1x!tpu.dma_semaphore, #tpu.memory_space<semaphore_mem>>
      %dma_start3A_88 = tpu.memref_squeeze %dma_start3A_87 : memref<1x!tpu.dma_semaphore, #tpu.memory_space<semaphore_mem>> -> memref<!tpu.dma_semaphore, #tpu.memory_space<semaphore_mem>>
      %dma_start3A_89 = arith.constant 0 : i32
      %dma_start3A_90 = arith.constant 0 : i32
      %dma_start3A_91 = tpu.memref_slice %arg5[%rem3A_75, %dma_start3A_89, %dma_start3A_90] : memref<6x128x128xf32, #tpu.memory_space<vmem>> -> memref<1x128x128xf32, #tpu.memory_space<vmem>>
      %dma_start3A_92 = tpu.memref_squeeze %dma_start3A_91 : memref<1x128x128xf32, #tpu.memory_space<vmem>> -> memref<128x128xf32, #tpu.memory_space<vmem>>
      %dma_start3A_93 = arith.constant 0 : i32
      %dma_start3A_94 = tpu.memref_slice %arg2[%min3A_80, %dma_start3A_93] : memref<100000x128xf32, #tpu.memory_space<hbm>> -> memref<128x128xf32, #tpu.memory_space<hbm>>
      tpu.enqueue_dma source(%dma_start3A_94 : memref<128x128xf32, #tpu.memory_space<hbm>>) target(%dma_start3A_92 : memref<128x128xf32, #tpu.memory_space<vmem>>) target_semaphore(%dma_start3A_88 : memref<!tpu.dma_semaphore, #tpu.memory_space<semaphore_mem>>)
    } else {
    }
    %scan3A = arith.constant 0 : i32
    %scan3A_26 = arith.constant 0 : i32
    %scan3A_27 = arith.constant 72 : i32
    %scan3A_28 = arith.addi %scan3A_26, %scan3A_27 : i32
    %scan3A_29 = arith.constant 1 : i32
    %scan3A_30 = scf.for %scan3A_74 = %scan3A_26 to %scan3A_28 step %scan3A_29 iter_args(%scan3A_75 = %scan3A) -> (i32)  : i32 {
      %scan3A_76 = arith.constant 0 : i32
      %scan3A_77 = arith.constant 0 : i32
      %scan3A_78 = arith.constant 8 : i32
      %scan3A_79 = arith.addi %scan3A_77, %scan3A_78 : i32
      %scan3A_80 = arith.constant 1 : i32
      %scan3A_81 = scf.for %scan3A_83 = %scan3A_77 to %scan3A_79 step %scan3A_80 iter_args(%scan3A_84 = %scan3A_76) -> (i32)  : i32 {
        %broadcast_in_dim3A = arith.constant 0.000000e+00 : f32
        %broadcast_in_dim3A_85 = vector.broadcast %broadcast_in_dim3A : f32 to vector<16xf32>
        %mul3A_86 = arith.constant 16 : i32
        %mul3A_87 = arith.muli %scan3A_83, %mul3A_86 : i32
        %swap3A = arith.index_cast %scan3A_74 : i32 to index
        %swap3A_88 = arith.index_cast %mul3A_87 : i32 to index
        %swap3A_89 = tpu.vector_load %arg7[%swap3A, %swap3A_88] {strides = array<i32>} : memref<72x128xf32, #tpu.memory_space<vmem>>, vector<1x16xf32>,
        %swap3A_90 = vector.shape_cast %swap3A_89 : vector<1x16xf32> to vector<16xf32>
        %swap3A_91 = vector.shape_cast %broadcast_in_dim3A_85 : vector<16xf32> to vector<1x16xf32>
        tpu.vector_store %arg7[%swap3A, %swap3A_88], %swap3A_91 {strides = array<i32>} : memref<72x128xf32, #tpu.memory_space<vmem>>, vector<1x16xf32>,
        %scan3A_92 = arith.constant 0 : i32
        scf.yield %scan3A_92 : i32
      }
      %scan3A_82 = arith.constant 8 : i32
      scf.yield %scan3A_81 : i32
    }
    %scan3A_31 = arith.constant 72 : i32
    %mul3A_32 = arith.constant 72 : i32
    %mul3A_33 = arith.muli %arg1, %mul3A_32 : i32
    "tpu.region"() ({
      %run_scoped3A = tpu.sem_alloc : memref<!tpu.dma_semaphore, #tpu.memory_space<semaphore_mem>>
      %dma_start3A_74 = arith.constant 0 : i32
      %dma_start3A_75 = tpu.memref_slice %arg8[%mul3A_33, %dma_start3A_74] : memref<1152x128xf32, #tpu.memory_space<vmem_shared>> -> memref<72x128xf32, #tpu.memory_space<vmem_shared>>
      %dma_start3A_76 = arith.constant 0 : i32
      %dma_start3A_77 = tpu.memref_slice %arg8[%mul3A_33, %dma_start3A_76] : memref<1152x128xf32, #tpu.memory_space<vmem_shared>> -> memref<72x128xf32, #tpu.memory_space<vmem_shared>>
      tpu.enqueue_dma source(%arg7 : memref<72x128xf32, #tpu.memory_space<vmem>>) target(%dma_start3A_77 : memref<72x128xf32, #tpu.memory_space<vmem_shared>>) target_semaphore(%run_scoped3A : memref<!tpu.dma_semaphore, #tpu.memory_space<semaphore_mem>>)
      %dma_wait3A_78 = arith.constant 0 : i32
      %dma_wait3A_79 = tpu.memref_slice %arg8[%mul3A_33, %dma_wait3A_78] : memref<1152x128xf32, #tpu.memory_space<vmem_shared>> -> memref<72x128xf32, #tpu.memory_space<vmem_shared>>
      %dma_wait3A_80 = arith.constant 0 : i32
      %dma_wait3A_81 = tpu.memref_slice %arg8[%mul3A_33, %dma_wait3A_80] : memref<1152x128xf32, #tpu.memory_space<vmem_shared>> -> memref<72x128xf32, #tpu.memory_space<vmem_shared>>
      tpu.wait_dma2 semaphore(%run_scoped3A : memref<!tpu.dma_semaphore, #tpu.memory_space<semaphore_mem>>) src(%arg7 : memref<72x128xf32, #tpu.memory_space<vmem>>) dst(%dma_wait3A_81 : memref<72x128xf32, #tpu.memory_space<vmem_shared>>)
      tpu.yield
    }) : () -> ()
    %barrier3A = arith.constant 0 : index
    tpu.barrier barrier_id(%barrier3A)
    %dma_wait3A = arith.constant 0 : i32
    %dma_wait3A_34 = arith.constant 0 : i32
    %dma_wait3A_35 = tpu.memref_slice %arg3[%add3A, %dma_wait3A, %dma_wait3A_34] : memref<32x25x128xi32, #tpu.memory_space<hbm>> -> memref<1x25x128xi32, #tpu.memory_space<hbm>>
    %dma_wait3A_36 = tpu.memref_squeeze %dma_wait3A_35 : memref<1x25x128xi32, #tpu.memory_space<hbm>> -> memref<25x128xi32, #tpu.memory_space<hbm>>
    %dma_wait3A_37 = arith.constant 0 : i32
    %dma_wait3A_38 = arith.constant 0 : i32
    %dma_wait3A_39 = tpu.memref_slice %arg3[%add3A, %dma_wait3A_37, %dma_wait3A_38] : memref<32x25x128xi32, #tpu.memory_space<hbm>> -> memref<1x25x128xi32, #tpu.memory_space<hbm>>
    %dma_wait3A_40 = tpu.memref_squeeze %dma_wait3A_39 : memref<1x25x128xi32, #tpu.memory_space<hbm>> -> memref<25x128xi32, #tpu.memory_space<hbm>>
    tpu.wait_dma2 semaphore(%arg11 : memref<!tpu.dma_semaphore, #tpu.memory_space<semaphore_mem>>) src(%dma_wait3A_40 : memref<25x128xi32, #tpu.memory_space<hbm>>) dst(%arg6 : memref<25x128xi32, #tpu.memory_space<vmem>>)
    %scan3A_41 = arith.constant 0 : i32
    %scan3A_42 = arith.constant 0 : i32
    %scan3A_43 = arith.constant 25 : i32
    %scan3A_44 = arith.addi %scan3A_42, %scan3A_43 : i32
    %scan3A_45 = arith.constant 1 : i32
    %scan3A_46 = scf.for %scan3A_74 = %scan3A_42 to %scan3A_44 step %scan3A_45 iter_args(%scan3A_75 = %scan3A_41) -> (i32)  : i32 {
      %ge3A = arith.constant 3 : i32
      %ge3A_76 = arith.cmpi sge, %scan3A_74, %ge3A : i32
      %convert_element_type3A_77 = arith.extui %ge3A_76 : i1 to i32
      %cond3A_78 = arith.constant 0 : i32
      %cond3A_79 = arith.cmpi ne, %convert_element_type3A_77, %cond3A_78 : i32
      scf.if %cond3A_79 {
        %sub3A = arith.constant 3 : i32
        %sub3A_99 = arith.subi %scan3A_74, %sub3A : i32
        %mul3A_100 = arith.constant 32 : i32
        %mul3A_101 = arith.muli %sub3A_99, %mul3A_100 : i32
        %add3A_102 = arith.addi %mul3A_101, %add3A : i32
        %lt3A_103 = arith.constant 782 : i32
        %lt3A_104 = arith.cmpi slt, %add3A_102, %lt3A_103 : i32
        %convert_element_type3A_105 = arith.extui %lt3A_104 : i1 to i32
        %cond3A_106 = arith.constant 0 : i32
        %cond3A_107 = arith.cmpi ne, %convert_element_type3A_105, %cond3A_106 : i32
        scf.if %cond3A_107 {
          %rem3A = arith.constant 6 : i32
          %rem3A_108 = arith.remsi %sub3A_99, %rem3A : i32
          %dma_wait3A_109 = arith.constant 0 : i32
          %dma_wait3A_110 = arith.constant 0 : i32
          %dma_wait3A_111 = tpu.memref_slice %arg5[%rem3A_108, %dma_wait3A_109, %dma_wait3A_110] : memref<6x128x128xf32, #tpu.memory_space<vmem>> -> memref<1x128x128xf32, #tpu.memory_space<vmem>>
          %dma_wait3A_112 = tpu.memref_squeeze %dma_wait3A_111 : memref<1x128x128xf32, #tpu.memory_space<vmem>> -> memref<128x128xf32, #tpu.memory_space<vmem>>
          %dma_wait3A_113 = arith.constant 0 : i32
          %dma_wait3A_114 = tpu.memref_slice %arg6[%sub3A_99, %dma_wait3A_113] : memref<25x128xi32, #tpu.memory_space<vmem>> -> memref<1x128xi32, #tpu.memory_space<vmem>>
          %dma_wait3A_115 = tpu.memref_squeeze %dma_wait3A_114 : memref<1x128xi32, #tpu.memory_space<vmem>> -> memref<128xi32, #tpu.memory_space<vmem>>
          %dma_wait3A_116 = arith.constant 0 : i32
          %dma_wait3A_117 = arith.constant 0 : i32
          %dma_wait3A_118 = tpu.memref_slice %arg8[%dma_wait3A_116, %dma_wait3A_117] : memref<1152x128xf32, #tpu.memory_space<vmem_shared>> -> memref<1152x128xf32, #tpu.memory_space<vmem_shared>>
          %dma_wait3A_119 = tpu.memref_slice %arg10[%rem3A_108] : memref<6x!tpu.dma_semaphore, #tpu.memory_space<semaphore_mem>> -> memref<1x!tpu.dma_semaphore, #tpu.memory_space<semaphore_mem>>
          %dma_wait3A_120 = tpu.memref_squeeze %dma_wait3A_119 : memref<1x!tpu.dma_semaphore, #tpu.memory_space<semaphore_mem>> -> memref<!tpu.dma_semaphore, #tpu.memory_space<semaphore_mem>>
          tpu.wait_indirect_dma semaphore(%dma_wait3A_120 : memref<!tpu.dma_semaphore, #tpu.memory_space<semaphore_mem>>) src(%dma_wait3A_112 : memref<128x128xf32, #tpu.memory_space<vmem>>) dst(%dma_wait3A_118 : memref<1152x128xf32, #tpu.memory_space<vmem_shared>>)
        } else {
        }
      } else {
      }
      %add3A_80 = arith.constant 3 : i32
      %add3A_81 = arith.addi %scan3A_74, %add3A_80 : i32
      %mul3A_82 = arith.constant 32 : i32
      %mul3A_83 = arith.muli %add3A_81, %mul3A_82 : i32
      %add3A_84 = arith.addi %mul3A_83, %add3A : i32
      %lt3A_85 = arith.constant 782 : i32
      %lt3A_86 = arith.cmpi slt, %add3A_84, %lt3A_85 : i32
      %convert_element_type3A_87 = arith.extui %lt3A_86 : i1 to i32
      %cond3A_88 = arith.constant 0 : i32
      %cond3A_89 = arith.cmpi ne, %convert_element_type3A_87, %cond3A_88 : i32
      scf.if %cond3A_89 {
        %rem3A = arith.constant 6 : i32
        %rem3A_99 = arith.remsi %add3A_81, %rem3A : i32
        %mul3A_100 = arith.constant 32 : i32
        %mul3A_101 = arith.muli %add3A_81, %mul3A_100 : i32
        %add3A_102 = arith.addi %mul3A_101, %add3A : i32
        %mul3A_103 = arith.constant 128 : i32
        %mul3A_104 = arith.muli %add3A_102, %mul3A_103 : i32
        %min3A = arith.constant 99872 : i32
        %min3A_105 = arith.minsi %mul3A_104, %min3A : i32
        %dma_start3A_106 = arith.constant 0 : i32
        %dma_start3A_107 = arith.constant 0 : i32
        %dma_start3A_108 = tpu.memref_slice %arg5[%rem3A_99, %dma_start3A_106, %dma_start3A_107] : memref<6x128x128xf32, #tpu.memory_space<vmem>> -> memref<1x128x128xf32, #tpu.memory_space<vmem>>
        %dma_start3A_109 = tpu.memref_squeeze %dma_start3A_108 : memref<1x128x128xf32, #tpu.memory_space<vmem>> -> memref<128x128xf32, #tpu.memory_space<vmem>>
        %dma_start3A_110 = arith.constant 0 : i32
        %dma_start3A_111 = tpu.memref_slice %arg2[%min3A_105, %dma_start3A_110] : memref<100000x128xf32, #tpu.memory_space<hbm>> -> memref<128x128xf32, #tpu.memory_space<hbm>>
        %dma_start3A_112 = tpu.memref_slice %arg9[%rem3A_99] : memref<6x!tpu.dma_semaphore, #tpu.memory_space<semaphore_mem>> -> memref<1x!tpu.dma_semaphore, #tpu.memory_space<semaphore_mem>>
        %dma_start3A_113 = tpu.memref_squeeze %dma_start3A_112 : memref<1x!tpu.dma_semaphore, #tpu.memory_space<semaphore_mem>> -> memref<!tpu.dma_semaphore, #tpu.memory_space<semaphore_mem>>
        %dma_start3A_114 = arith.constant 0 : i32
        %dma_start3A_115 = arith.constant 0 : i32
        %dma_start3A_116 = tpu.memref_slice %arg5[%rem3A_99, %dma_start3A_114, %dma_start3A_115] : memref<6x128x128xf32, #tpu.memory_space<vmem>> -> memref<1x128x128xf32, #tpu.memory_space<vmem>>
        %dma_start3A_117 = tpu.memref_squeeze %dma_start3A_116 : memref<1x128x128xf32, #tpu.memory_space<vmem>> -> memref<128x128xf32, #tpu.memory_space<vmem>>
        %dma_start3A_118 = arith.constant 0 : i32
        %dma_start3A_119 = tpu.memref_slice %arg2[%min3A_105, %dma_start3A_118] : memref<100000x128xf32, #tpu.memory_space<hbm>> -> memref<128x128xf32, #tpu.memory_space<hbm>>
        tpu.enqueue_dma source(%dma_start3A_119 : memref<128x128xf32, #tpu.memory_space<hbm>>) target(%dma_start3A_117 : memref<128x128xf32, #tpu.memory_space<vmem>>) target_semaphore(%dma_start3A_113 : memref<!tpu.dma_semaphore, #tpu.memory_space<semaphore_mem>>)
      } else {
      }
      %mul3A_90 = arith.constant 32 : i32
      %mul3A_91 = arith.muli %scan3A_74, %mul3A_90 : i32
      %add3A_92 = arith.addi %mul3A_91, %add3A : i32
      %lt3A_93 = arith.constant 782 : i32
      %lt3A_94 = arith.cmpi slt, %add3A_92, %lt3A_93 : i32
      %convert_element_type3A_95 = arith.extui %lt3A_94 : i1 to i32
      %cond3A_96 = arith.constant 0 : i32
      %cond3A_97 = arith.cmpi ne, %convert_element_type3A_95, %cond3A_96 : i32
      scf.if %cond3A_97 {
        %rem3A = arith.constant 6 : i32
        %rem3A_99 = arith.remsi %scan3A_74, %rem3A : i32
        %rem3A_100 = arith.constant 6 : i32
        %rem3A_101 = arith.remsi %scan3A_74, %rem3A_100 : i32
        %mul3A_102 = arith.constant 32 : i32
        %mul3A_103 = arith.muli %scan3A_74, %mul3A_102 : i32
        %add3A_104 = arith.addi %mul3A_103, %add3A : i32
        %mul3A_105 = arith.constant 128 : i32
        %mul3A_106 = arith.muli %add3A_104, %mul3A_105 : i32
        %min3A = arith.constant 99872 : i32
        %min3A_107 = arith.minsi %mul3A_106, %min3A : i32
        %dma_wait3A_108 = arith.constant 0 : i32
        %dma_wait3A_109 = arith.constant 0 : i32
        %dma_wait3A_110 = tpu.memref_slice %arg5[%rem3A_101, %dma_wait3A_108, %dma_wait3A_109] : memref<6x128x128xf32, #tpu.memory_space<vmem>> -> memref<1x128x128xf32, #tpu.memory_space<vmem>>
        %dma_wait3A_111 = tpu.memref_squeeze %dma_wait3A_110 : memref<1x128x128xf32, #tpu.memory_space<vmem>> -> memref<128x128xf32, #tpu.memory_space<vmem>>
        %dma_wait3A_112 = arith.constant 0 : i32
        %dma_wait3A_113 = tpu.memref_slice %arg2[%min3A_107, %dma_wait3A_112] : memref<100000x128xf32, #tpu.memory_space<hbm>> -> memref<128x128xf32, #tpu.memory_space<hbm>>
        %dma_wait3A_114 = tpu.memref_slice %arg9[%rem3A_101] : memref<6x!tpu.dma_semaphore, #tpu.memory_space<semaphore_mem>> -> memref<1x!tpu.dma_semaphore, #tpu.memory_space<semaphore_mem>>
        %dma_wait3A_115 = tpu.memref_squeeze %dma_wait3A_114 : memref<1x!tpu.dma_semaphore, #tpu.memory_space<semaphore_mem>> -> memref<!tpu.dma_semaphore, #tpu.memory_space<semaphore_mem>>
        %dma_wait3A_116 = arith.constant 0 : i32
        %dma_wait3A_117 = arith.constant 0 : i32
        %dma_wait3A_118 = tpu.memref_slice %arg5[%rem3A_101, %dma_wait3A_116, %dma_wait3A_117] : memref<6x128x128xf32, #tpu.memory_space<vmem>> -> memref<1x128x128xf32, #tpu.memory_space<vmem>>
        %dma_wait3A_119 = tpu.memref_squeeze %dma_wait3A_118 : memref<1x128x128xf32, #tpu.memory_space<vmem>> -> memref<128x128xf32, #tpu.memory_space<vmem>>
        %dma_wait3A_120 = arith.constant 0 : i32
        %dma_wait3A_121 = tpu.memref_slice %arg2[%min3A_107, %dma_wait3A_120] : memref<100000x128xf32, #tpu.memory_space<hbm>> -> memref<128x128xf32, #tpu.memory_space<hbm>>
        tpu.wait_dma2 semaphore(%dma_wait3A_115 : memref<!tpu.dma_semaphore, #tpu.memory_space<semaphore_mem>>) src(%dma_wait3A_121 : memref<128x128xf32, #tpu.memory_space<hbm>>) dst(%dma_wait3A_119 : memref<128x128xf32, #tpu.memory_space<vmem>>)
        %dma_start3A_122 = arith.constant 0 : i32
        %dma_start3A_123 = arith.constant 0 : i32
        %dma_start3A_124 = tpu.memref_slice %arg5[%rem3A_99, %dma_start3A_122, %dma_start3A_123] : memref<6x128x128xf32, #tpu.memory_space<vmem>> -> memref<1x128x128xf32, #tpu.memory_space<vmem>>
        %dma_start3A_125 = tpu.memref_squeeze %dma_start3A_124 : memref<1x128x128xf32, #tpu.memory_space<vmem>> -> memref<128x128xf32, #tpu.memory_space<vmem>>
        %dma_start3A_126 = arith.constant 0 : i32
        %dma_start3A_127 = tpu.memref_slice %arg6[%scan3A_74, %dma_start3A_126] : memref<25x128xi32, #tpu.memory_space<vmem>> -> memref<1x128xi32, #tpu.memory_space<vmem>>
        %dma_start3A_128 = tpu.memref_squeeze %dma_start3A_127 : memref<1x128xi32, #tpu.memory_space<vmem>> -> memref<128xi32, #tpu.memory_space<vmem>>
        %dma_start3A_129 = arith.constant 0 : i32
        %dma_start3A_130 = arith.constant 0 : i32
        %dma_start3A_131 = tpu.memref_slice %arg8[%dma_start3A_129, %dma_start3A_130] : memref<1152x128xf32, #tpu.memory_space<vmem_shared>> -> memref<1152x128xf32, #tpu.memory_space<vmem_shared>>
        %dma_start3A_132 = tpu.memref_slice %arg10[%rem3A_99] : memref<6x!tpu.dma_semaphore, #tpu.memory_space<semaphore_mem>> -> memref<1x!tpu.dma_semaphore, #tpu.memory_space<semaphore_mem>>
        %dma_start3A_133 = tpu.memref_squeeze %dma_start3A_132 : memref<1x!tpu.dma_semaphore, #tpu.memory_space<semaphore_mem>> -> memref<!tpu.dma_semaphore, #tpu.memory_space<semaphore_mem>>
        tpu.enqueue_indirect_dma source(%dma_start3A_125 : memref<128x128xf32, #tpu.memory_space<vmem>>) target(%dma_start3A_131 : memref<1152x128xf32, #tpu.memory_space<vmem_shared>>) offsets(%dma_start3A_128 : memref<128xi32, #tpu.memory_space<vmem>>) semaphore(%dma_start3A_133 : memref<!tpu.dma_semaphore, #tpu.memory_space<semaphore_mem>>) {add = true}
      } else {
      }
      %scan3A_98 = arith.constant 0 : i32
      scf.yield %scan3A_98 : i32
    }
    %scan3A_47 = arith.constant 25 : i32
    %add3A_48 = arith.constant 704 : i32
    %add3A_49 = arith.addi %add3A_48, %add3A : i32
    %lt3A_50 = arith.constant 782 : i32
    %lt3A_51 = arith.cmpi slt, %add3A_49, %lt3A_50 : i32
    %convert_element_type3A_52 = arith.extui %lt3A_51 : i1 to i32
    %cond3A_53 = arith.constant 0 : i32
    %cond3A_54 = arith.cmpi ne, %convert_element_type3A_52, %cond3A_53 : i32
    scf.if %cond3A_54 {
      %rem3A = arith.constant 22 : i32
      %rem3A_74 = arith.constant 6 : i32
      %rem3A_75 = arith.remsi %rem3A, %rem3A_74 : i32
      %dma_wait3A_76 = arith.constant 22 : i32
      %dma_wait3A_77 = arith.constant 0 : i32
      %dma_wait3A_78 = arith.constant 0 : i32
      %dma_wait3A_79 = tpu.memref_slice %arg5[%rem3A_75, %dma_wait3A_77, %dma_wait3A_78] : memref<6x128x128xf32, #tpu.memory_space<vmem>> -> memref<1x128x128xf32, #tpu.memory_space<vmem>>
      %dma_wait3A_80 = tpu.memref_squeeze %dma_wait3A_79 : memref<1x128x128xf32, #tpu.memory_space<vmem>> -> memref<128x128xf32, #tpu.memory_space<vmem>>
      %dma_wait3A_81 = arith.constant 0 : i32
      %dma_wait3A_82 = tpu.memref_slice %arg6[%dma_wait3A_76, %dma_wait3A_81] : memref<25x128xi32, #tpu.memory_space<vmem>> -> memref<1x128xi32, #tpu.memory_space<vmem>>
      %dma_wait3A_83 = tpu.memref_squeeze %dma_wait3A_82 : memref<1x128xi32, #tpu.memory_space<vmem>> -> memref<128xi32, #tpu.memory_space<vmem>>
      %dma_wait3A_84 = arith.constant 0 : i32
      %dma_wait3A_85 = arith.constant 0 : i32
      %dma_wait3A_86 = tpu.memref_slice %arg8[%dma_wait3A_84, %dma_wait3A_85] : memref<1152x128xf32, #tpu.memory_space<vmem_shared>> -> memref<1152x128xf32, #tpu.memory_space<vmem_shared>>
      %dma_wait3A_87 = tpu.memref_slice %arg10[%rem3A_75] : memref<6x!tpu.dma_semaphore, #tpu.memory_space<semaphore_mem>> -> memref<1x!tpu.dma_semaphore, #tpu.memory_space<semaphore_mem>>
      %dma_wait3A_88 = tpu.memref_squeeze %dma_wait3A_87 : memref<1x!tpu.dma_semaphore, #tpu.memory_space<semaphore_mem>> -> memref<!tpu.dma_semaphore, #tpu.memory_space<semaphore_mem>>
      tpu.wait_indirect_dma semaphore(%dma_wait3A_88 : memref<!tpu.dma_semaphore, #tpu.memory_space<semaphore_mem>>) src(%dma_wait3A_80 : memref<128x128xf32, #tpu.memory_space<vmem>>) dst(%dma_wait3A_86 : memref<1152x128xf32, #tpu.memory_space<vmem_shared>>)
    } else {
    }
    %add3A_55 = arith.constant 736 : i32
    %add3A_56 = arith.addi %add3A_55, %add3A : i32
    %lt3A_57 = arith.constant 782 : i32
    %lt3A_58 = arith.cmpi slt, %add3A_56, %lt3A_57 : i32
    %convert_element_type3A_59 = arith.extui %lt3A_58 : i1 to i32
    %cond3A_60 = arith.constant 0 : i32
    %cond3A_61 = arith.cmpi ne, %convert_element_type3A_59, %cond3A_60 : i32
    scf.if %cond3A_61 {
      %rem3A = arith.constant 23 : i32
      %rem3A_74 = arith.constant 6 : i32
      %rem3A_75 = arith.remsi %rem3A, %rem3A_74 : i32
      %dma_wait3A_76 = arith.constant 23 : i32
      %dma_wait3A_77 = arith.constant 0 : i32
      %dma_wait3A_78 = arith.constant 0 : i32
      %dma_wait3A_79 = tpu.memref_slice %arg5[%rem3A_75, %dma_wait3A_77, %dma_wait3A_78] : memref<6x128x128xf32, #tpu.memory_space<vmem>> -> memref<1x128x128xf32, #tpu.memory_space<vmem>>
      %dma_wait3A_80 = tpu.memref_squeeze %dma_wait3A_79 : memref<1x128x128xf32, #tpu.memory_space<vmem>> -> memref<128x128xf32, #tpu.memory_space<vmem>>
      %dma_wait3A_81 = arith.constant 0 : i32
      %dma_wait3A_82 = tpu.memref_slice %arg6[%dma_wait3A_76, %dma_wait3A_81] : memref<25x128xi32, #tpu.memory_space<vmem>> -> memref<1x128xi32, #tpu.memory_space<vmem>>
      %dma_wait3A_83 = tpu.memref_squeeze %dma_wait3A_82 : memref<1x128xi32, #tpu.memory_space<vmem>> -> memref<128xi32, #tpu.memory_space<vmem>>
      %dma_wait3A_84 = arith.constant 0 : i32
      %dma_wait3A_85 = arith.constant 0 : i32
      %dma_wait3A_86 = tpu.memref_slice %arg8[%dma_wait3A_84, %dma_wait3A_85] : memref<1152x128xf32, #tpu.memory_space<vmem_shared>> -> memref<1152x128xf32, #tpu.memory_space<vmem_shared>>
      %dma_wait3A_87 = tpu.memref_slice %arg10[%rem3A_75] : memref<6x!tpu.dma_semaphore, #tpu.memory_space<semaphore_mem>> -> memref<1x!tpu.dma_semaphore, #tpu.memory_space<semaphore_mem>>
      %dma_wait3A_88 = tpu.memref_squeeze %dma_wait3A_87 : memref<1x!tpu.dma_semaphore, #tpu.memory_space<semaphore_mem>> -> memref<!tpu.dma_semaphore, #tpu.memory_space<semaphore_mem>>
      tpu.wait_indirect_dma semaphore(%dma_wait3A_88 : memref<!tpu.dma_semaphore, #tpu.memory_space<semaphore_mem>>) src(%dma_wait3A_80 : memref<128x128xf32, #tpu.memory_space<vmem>>) dst(%dma_wait3A_86 : memref<1152x128xf32, #tpu.memory_space<vmem_shared>>)
    } else {
    }
    %add3A_62 = arith.constant 768 : i32
    %add3A_63 = arith.addi %add3A_62, %add3A : i32
    %lt3A_64 = arith.constant 782 : i32
    %lt3A_65 = arith.cmpi slt, %add3A_63, %lt3A_64 : i32
    %convert_element_type3A_66 = arith.extui %lt3A_65 : i1 to i32
    %cond3A_67 = arith.constant 0 : i32
    %cond3A_68 = arith.cmpi ne, %convert_element_type3A_66, %cond3A_67 : i32
    scf.if %cond3A_68 {
      %rem3A = arith.constant 24 : i32
      %rem3A_74 = arith.constant 6 : i32
      %rem3A_75 = arith.remsi %rem3A, %rem3A_74 : i32
      %dma_wait3A_76 = arith.constant 24 : i32
      %dma_wait3A_77 = arith.constant 0 : i32
      %dma_wait3A_78 = arith.constant 0 : i32
      %dma_wait3A_79 = tpu.memref_slice %arg5[%rem3A_75, %dma_wait3A_77, %dma_wait3A_78] : memref<6x128x128xf32, #tpu.memory_space<vmem>> -> memref<1x128x128xf32, #tpu.memory_space<vmem>>
      %dma_wait3A_80 = tpu.memref_squeeze %dma_wait3A_79 : memref<1x128x128xf32, #tpu.memory_space<vmem>> -> memref<128x128xf32, #tpu.memory_space<vmem>>
      %dma_wait3A_81 = arith.constant 0 : i32
      %dma_wait3A_82 = tpu.memref_slice %arg6[%dma_wait3A_76, %dma_wait3A_81] : memref<25x128xi32, #tpu.memory_space<vmem>> -> memref<1x128xi32, #tpu.memory_space<vmem>>
      %dma_wait3A_83 = tpu.memref_squeeze %dma_wait3A_82 : memref<1x128xi32, #tpu.memory_space<vmem>> -> memref<128xi32, #tpu.memory_space<vmem>>
      %dma_wait3A_84 = arith.constant 0 : i32
      %dma_wait3A_85 = arith.constant 0 : i32
      %dma_wait3A_86 = tpu.memref_slice %arg8[%dma_wait3A_84, %dma_wait3A_85] : memref<1152x128xf32, #tpu.memory_space<vmem_shared>> -> memref<1152x128xf32, #tpu.memory_space<vmem_shared>>
      %dma_wait3A_87 = tpu.memref_slice %arg10[%rem3A_75] : memref<6x!tpu.dma_semaphore, #tpu.memory_space<semaphore_mem>> -> memref<1x!tpu.dma_semaphore, #tpu.memory_space<semaphore_mem>>
      %dma_wait3A_88 = tpu.memref_squeeze %dma_wait3A_87 : memref<1x!tpu.dma_semaphore, #tpu.memory_space<semaphore_mem>> -> memref<!tpu.dma_semaphore, #tpu.memory_space<semaphore_mem>>
      tpu.wait_indirect_dma semaphore(%dma_wait3A_88 : memref<!tpu.dma_semaphore, #tpu.memory_space<semaphore_mem>>) src(%dma_wait3A_80 : memref<128x128xf32, #tpu.memory_space<vmem>>) dst(%dma_wait3A_86 : memref<1152x128xf32, #tpu.memory_space<vmem_shared>>)
    } else {
    }
    %barrier3A_69 = arith.constant 0 : index
    tpu.barrier barrier_id(%barrier3A_69)
    %mul3A_70 = arith.constant 64 : i32
    %mul3A_71 = arith.muli %arg1, %mul3A_70 : i32
    %mul3A_72 = arith.constant 64 : i32
    %mul3A_73 = arith.muli %arg1, %mul3A_72 : i32
    "tpu.region"() ({
      %run_scoped3A = tpu.sem_alloc : memref<!tpu.dma_semaphore, #tpu.memory_space<semaphore_mem>>
      %dma_start3A_74 = arith.constant 0 : i32
      %dma_start3A_75 = arith.constant 0 : i32
      %dma_start3A_76 = tpu.memref_slice %arg4[%arg0, %dma_start3A_74, %dma_start3A_75] : memref<2x1024x128xf32, #tpu.memory_space<hbm>> -> memref<1x1024x128xf32, #tpu.memory_space<hbm>>
      %dma_start3A_77 = tpu.memref_squeeze %dma_start3A_76 : memref<1x1024x128xf32, #tpu.memory_space<hbm>> -> memref<1024x128xf32, #tpu.memory_space<hbm>>
      %dma_start3A_78 = arith.constant 0 : i32
      %dma_start3A_79 = tpu.memref_slice %dma_start3A_77[%mul3A_73, %dma_start3A_78] : memref<1024x128xf32, #tpu.memory_space<hbm>> -> memref<64x128xf32, #tpu.memory_space<hbm>>
      %dma_start3A_80 = arith.constant 0 : i32
      %dma_start3A_81 = tpu.memref_slice %arg8[%mul3A_71, %dma_start3A_80] : memref<1152x128xf32, #tpu.memory_space<vmem_shared>> -> memref<64x128xf32, #tpu.memory_space<vmem_shared>>
      tpu.enqueue_dma source(%dma_start3A_81 : memref<64x128xf32, #tpu.memory_space<vmem_shared>>) target(%dma_start3A_79 : memref<64x128xf32, #tpu.memory_space<hbm>>) target_semaphore(%run_scoped3A : memref<!tpu.dma_semaphore, #tpu.memory_space<semaphore_mem>>)
      %dma_wait3A_82 = arith.constant 0 : i32
      %dma_wait3A_83 = arith.constant 0 : i32
      %dma_wait3A_84 = tpu.memref_slice %arg4[%arg0, %dma_wait3A_82, %dma_wait3A_83] : memref<2x1024x128xf32, #tpu.memory_space<hbm>> -> memref<1x1024x128xf32, #tpu.memory_space<hbm>>
      %dma_wait3A_85 = tpu.memref_squeeze %dma_wait3A_84 : memref<1x1024x128xf32, #tpu.memory_space<hbm>> -> memref<1024x128xf32, #tpu.memory_space<hbm>>
      %dma_wait3A_86 = arith.constant 0 : i32
      %dma_wait3A_87 = tpu.memref_slice %dma_wait3A_85[%mul3A_73, %dma_wait3A_86] : memref<1024x128xf32, #tpu.memory_space<hbm>> -> memref<64x128xf32, #tpu.memory_space<hbm>>
      %dma_wait3A_88 = arith.constant 0 : i32
      %dma_wait3A_89 = tpu.memref_slice %arg8[%mul3A_71, %dma_wait3A_88] : memref<1152x128xf32, #tpu.memory_space<vmem_shared>> -> memref<64x128xf32, #tpu.memory_space<vmem_shared>>
      tpu.wait_dma2 semaphore(%run_scoped3A : memref<!tpu.dma_semaphore, #tpu.memory_space<semaphore_mem>>) src(%dma_wait3A_89 : memref<64x128xf32, #tpu.memory_space<vmem_shared>>) dst(%dma_wait3A_87 : memref<64x128xf32, #tpu.memory_space<hbm>>)
      tpu.yield
    }) : () -> ()
    return
  }
}

module attributes {stable_mosaic.version = 14 : i64} {
  func.func @add_body(%arg0: memref<2x1024x128xf32, #tpu.memory_space<vmem>>, %arg1: memref<1024x128xf32, #tpu.memory_space<vmem>>) attributes {dimension_semantics = [], scalar_prefetch = 0 : i64, scratch_operands = 0 : i64, tpu.core_type = #tpu.core_type<tc>} {
    %get3A = arith.constant 0 : index
    %get3A_0 = arith.constant 0 : index
    %get3A_1 = arith.constant 0 : index
    %get3A_2 = vector.load %arg0[%get3A, %get3A_0, %get3A_1] : memref<2x1024x128xf32, #tpu.memory_space<vmem>>, vector<1x1024x128xf32>
    %get3A_3 = vector.shape_cast %get3A_2 : vector<1x1024x128xf32> to vector<1024x128xf32>
    %get3A_4 = arith.constant 1 : index
    %get3A_5 = arith.constant 0 : index
    %get3A_6 = arith.constant 0 : index
    %get3A_7 = vector.load %arg0[%get3A_4, %get3A_5, %get3A_6] : memref<2x1024x128xf32, #tpu.memory_space<vmem>>, vector<1x1024x128xf32>
    %get3A_8 = vector.shape_cast %get3A_7 : vector<1x1024x128xf32> to vector<1024x128xf32>
    %add3A = arith.addf %get3A_3, %get3A_8 : vector<1024x128xf32>
    %swap3A = arith.constant 0 : index
    %swap3A_9 = arith.constant 0 : index
    %swap3A_10 = vector.load %arg1[%swap3A, %swap3A_9] : memref<1024x128xf32, #tpu.memory_space<vmem>>, vector<1024x128xf32>
    tpu.vector_store %arg1[%swap3A, %swap3A_9], %add3A {strides = array<i32>} : memref<1024x128xf32, #tpu.memory_space<vmem>>, vector<1024x128xf32>,
    return
  }
}

</mosaic_0001>

<sc_bundles>
// kernel: kernel.4.cloned.1.call-start
scs
__scs_entry_jumppad:
0x0: {  	(pc) =	sbr.rel $0x88, $3  }
0x1: {  	(tag) =	ssettag $0x0;
	lr =	simm.s32 $0x1  }
0x2: {  	[smem:$0x3F9F] =	sst lr;
	_ =	strace $0xD0000000  }
0x3: {  	_ = 	snop  }
0x4: {  	_ = 	snop  }
0x5: {  	_ = 	snop  }
0x6: {  	_ = 	snop  }
0x7: {  	_ = 	snop  }
__scs_overlays_trampoline_lowered:
0x8: {  	[smem:$0x3FAE] =	sst s0  }
0x9: {  	[smem:$0x3FAF] =	sst s1  }
0xa: {  	[smem:$0x3FB0] =	sst s2  }
0xb: {  	[smem:$0x3FB1] =	sst s3  }
0xc: {  	[smem:$0x3FB2] =	sst s4  }
0xd: {  	[smem:$0x3FB3] =	sst s5  }
0xe: {  	[smem:$0x3FB4] =	sst s6  }
0xf: {  	[smem:$0x3FB5] =	sst s7  }
0x10: {  	[smem:$0x3FB6] =	sst s8  }
0x11: {  	[smem:$0x3FB7] =	sst s9;
	s0 =	simm.s32 @!p0 $0x0  }
0x12: {  	s1 =	sld [smem:$0x3F9D];
	s0 =	simm.s32 @p0 $0x1  }
0x13: {  	[smem:$0x3FB8] =	sst s0;
	s0 =	simm.s32 @!p1 $0x0  }
0x14: {  	s2 =	sld [smem:$0x3F9C];
	s0 =	simm.s32 @p1 $0x1  }
0x15: {  	[smem:$0x3FB9] =	sst s0;
	s0 =	simm.s32 @!p2 $0x0  }
0x16: {  	s3 =	sld [smem:$0x3FDB];
	s0 =	simm.s32 @p2 $0x1  }
0x17: {  	s4 =	simm.s32 $0x1BF5;
	[smem:$0x3FBB] =	sst s0  }
0x18: {  	s0 =	sld [smem:$0x3F9E];
	_ =	swait.ge [sflag:s4], $0x0  }
0x19: {  	s7 =	sld [smem:$0x3F9F]  }
0x1a: {  	s8 =	sadd.s32 $0xFFFFE003, lr  }
0x1b: {  	s9 =	sadd.s32 $0xFFFFFEF7, lr;
	s5 =	simm.s32 $0xFFFFFFFF;
	p2 =	slt.u32 s8, $0xFFFFF086  }
0x1c: {  	p1 =	slt.u32 s9, $0xF7A;
	s5 =	simm.s32 @!p2 $0x0  }
0x1d: {  	s5 =	simm.s32 @p1 $0x1;
	p0 =	seq.s32 s7, s2  }
0x1e: {  	s7 =	smul.u32 @!p0 $0xF7A, s2;
	p2 =	seq.s32 @!p0 s5, $0x0  }
0x1f: {  	s9 =	smul.u32 $0xF7A, s1;
	s8 =	simm.s32 @!p0 $0x1BF5;
	p2 =	por !p2, p0  }
0x20: {  	[sflag:s8] =	ssyncset.s32 @!p0 $0xFFFFF086;
	s6 =	sadd.s32 @!p0 s3, s7;
	s7 =	simm.s32 @!p0 $0x108  }
0x21: {  	s3 =	sadd.s32 s3, s9;
	s6 =	sadd.s32 @!p0 $0x88, s6;
	s7 =	simm.s32 @p2 $0x1082  }
0x22: {  	[simem:s7], [sflag:s8] =	dma.local @!p0 [hbm:s6], $0xF7A  }
0x23: {  	s9 =	sor.u32 $0xD0000000, s2;
	s6 =	simm.s32 $0x108;
	_ =	swait.ge @!p0 [sflag:s8], $0x0  }
0x24: {  	s3 =	sadd.s32 $0x88, s3;
	s6 =	simm.s32 @!p1 $0x1082;
	[sflag:s4] =	ssyncset.s32 $0xFFFFF086  }
0x25: {  	[simem:s6], [sflag:s4] =	dma.local [hbm:s3], $0xF7A  }
0x26: {  	[smem:$0x3F9F] =	sst s1;
	(tag) =	ssettag s2;
	_ =	strace s9  }
0x27: {  	s1 =	sld [smem:$0x3FAF]  }
0x28: {  	s2 =	sld [smem:$0x3FB0]  }
0x29: {  	s4 =	sld [smem:$0x3FB2]  }
0x2a: {  	p0 =	seq.s32 s5, $0x0;
	s5 =	sld [smem:$0x3FB3]  }
0x2b: {  	s6 =	sld [smem:$0x3FB4]  }
0x2c: {  	s7 =	sld [smem:$0x3FB5]  }
0x2d: {  	s3 =	simm.s32 $0x108;
	s8 =	sld [smem:$0x3FB6]  }
0x2e: {  	s3 =	simm.s32 @!p0 $0x1082;
	s9 =	sld [smem:$0x3FB7]  }
0x2f: {  	lr =	sadd.s32 s0, s3;
	s0 =	sld [smem:$0x3FAE]  }
0x30: {  	s3 =	sld [smem:$0x3FB1]  }
0x31: {  	[smem:$0x3FBA] =	sst s10  }
0x32: {  	s10 =	sld [smem:$0x3FB8];
	_ =	sdelay $0x3  }
0x33: {  	p0 =	seq.s32 s10, $0x1;
	s10 =	sld [smem:$0x3FBA];
	_ =	sdelay $0x3  }
0x34: {  	[smem:$0x3FBA] =	sst s10  }
0x35: {  	s10 =	sld [smem:$0x3FB9];
	_ =	sdelay $0x3  }
0x36: {  	p1 =	seq.s32 s10, $0x1;
	s10 =	sld [smem:$0x3FBA];
	_ =	sdelay $0x3  }
0x37: {  	[smem:$0x3FBA] =	sst s10  }
0x38: {  	s10 =	sld [smem:$0x3FBB]  }
0x39: {  	_ = 	snop;
	(pc) =	sbr.ind lr, $3  }
0x3a: {  	_ = 	snop  }
0x3b: {  	_ = 	snop  }
0x3c: {  	p2 =	seq.s32 s10, $0x1;
	s10 =	sld [smem:$0x3FBA]  }
0x3d: {  	_ =	shalt  }
0x3e: {  	_ =	shalt  }
0x3f: {  	_ =	shalt  }
0x40: {  	_ =	shalt  }
0x41: {  	_ =	shalt  }
0x42: {  	_ =	shalt  }
0x43: {  	_ =	shalt  }
0x44: {  	_ =	shalt  }
0x45: {  	_ =	shalt  }
0x46: {  	_ =	shalt  }
0x47: {  	_ =	shalt  }
0x48: {  	_ =	shalt  }
0x49: {  	_ =	shalt  }
0x4a: {  	_ =	shalt  }
0x4b: {  	_ =	shalt  }
0x4c: {  	_ =	shalt  }
0x4d: {  	_ =	shalt  }
0x4e: {  	_ =	shalt  }
0x4f: {  	_ =	shalt  }
0x50: {  	_ =	shalt  }
0x51: {  	_ =	shalt  }
0x52: {  	_ =	shalt  }
0x53: {  	_ =	shalt  }
0x54: {  	_ =	shalt  }
0x55: {  	_ =	shalt  }
0x56: {  	_ =	shalt  }
0x57: {  	_ =	shalt  }
0x58: {  	_ =	shalt  }
0x59: {  	_ =	shalt  }
0x5a: {  	_ =	shalt  }
0x5b: {  	_ =	shalt  }
0x5c: {  	_ =	shalt  }
0x5d: {  	_ =	shalt  }
0x5e: {  	_ =	shalt  }
0x5f: {  	_ =	shalt  }
0x60: {  	_ =	shalt  }
0x61: {  	_ =	shalt  }
0x62: {  	_ =	shalt  }
0x63: {  	_ =	shalt  }
0x64: {  	_ =	shalt  }
0x65: {  	_ =	shalt  }
0x66: {  	_ =	shalt  }
0x67: {  	_ =	shalt  }
0x68: {  	_ =	shalt  }
0x69: {  	_ =	shalt  }
0x6a: {  	_ =	shalt  }
0x6b: {  	_ =	shalt  }
0x6c: {  	_ =	shalt  }
0x6d: {  	_ =	shalt  }
0x6e: {  	_ =	shalt  }
0x6f: {  	_ =	shalt  }
0x70: {  	_ =	shalt  }
0x71: {  	_ =	shalt  }
0x72: {  	_ =	shalt  }
0x73: {  	_ =	shalt  }
0x74: {  	_ =	shalt  }
0x75: {  	_ =	shalt  }
0x76: {  	_ =	shalt  }
0x77: {  	_ =	shalt  }
0x78: {  	_ =	shalt  }
0x79: {  	_ =	shalt  }
0x7a: {  	_ =	shalt  }
0x7b: {  	_ =	shalt  }
0x7c: {  	_ =	shalt  }
0x7d: {  	_ =	shalt  }
0x7e: {  	_ =	shalt  }
0x7f: {  	_ =	shalt  }
0x80: {  	_ =	shalt  }
0x81: {  	_ =	shalt  }
0x82: {  	_ =	shalt  }
0x83: {  	_ =	shalt  }
0x84: {  	_ =	shalt  }
0x85: {  	_ =	shalt  }
0x86: {  	_ =	shalt  }
0x87: {  	_ =	shalt  }
.Lfunc_end0:
.L_simem_size_0:
called_computation_lowered:
.L_overlay_start_0:
0x88: {  	s2 =	sld [smem:$0x3FD9]  }
0x89: {  	s3 =	sld [smem:$0x3FFE];
	_ =	sdelay $0x1  }
0x8a: {  	s1 =	srdreg.scid  }
0x8b: {  	s0 =	sand.u32 $0x1, s1  }
0x8c: {  	s17 =	sshll.u32 s0, $0xA;
	s2 =	sadd.s32 s3, s2  }
0x8d: {  	s2 =	sadd.s32 s2, s17  }
0x8e: {  	[smem:$0x3FC6] =	sst s2  }
0x8f: {  	_ = 	snop  }
0x90: {  	s2 =	sld [smem:$0x3FC9]  }
0x91: {  	s18 =	sld [smem:$0x3FD0];
	(tm) =	ssettm $0x1  }
0x92: {  	s4 =	sld [smem:$0x3FFB];
	_ =	sdelay $0x3  }
0x93: {  	_ =	strace s4  }
0x94: {  	s4 =	sld [smem:$0x3FFC];
	_ =	sdelay $0x3  }
0x95: {  	_ =	strace s4  }
0x96: {  	s4 =	sld [smem:$0x3FFD];
	_ =	sdelay $0x3  }
0x97: {  	_ =	strace s4  }
0x98: {  	_ =	strace $0x8FFFFFFF  }
0x99: {  	s19 =	sld [smem:$0x3FDB];
	_ =	sdelay $0x1  }
0x9a: {  	s5 =	simm.s32 $_scs_section_size  }
0x9b: {  	s6 =	simm.s32 $_size__tile_overlayer_lowered;
	s7 =	simm.s32 $_tile_overlayer_lowered  }
0x9c: {  	s22 =	simm.s32 $0x1BFF;
	s21 =	sshll.u32 s7, $0x1;
	s4 =	sadd.s32 s5, s19  }
0x9d: {  	s8 =	simm.s32 $0x0;
	s20 =	sshll.u32 s6, $0x1;
	s6 =	sadd.s32 s21, s4  }
0x9e: {  	[timem:s8], [sflag:s22] =	dma.local [hbm:s6], s20  }
0x9f: {  	_ =	swait.ge [sflag:s22], s20  }
0xa0: {  	s5 =	ssub.s32 $0x0, s20;
	[sflag:s22] =	ssyncset.done $0x0  }
0xa1: {  	[sflag:s22] =	ssyncadd.s32 s5;
	_ =	sdelay $0x1  }
0xa2: {  	s23 =	simm.s32 $0x1B8B  }
0xa3: {  	_ =	swait.ge [sflag:s23], $0x1  }
0xa4: {  	[sflag:s23] =	ssyncset.done $0x0  }
0xa5: {  	s25 =	simm.s32 $0x1B8E;
	s24 =	sld [smem:$0x3FFE];
	[sflag:s23] =	ssyncadd.s32 $0xFFFFFFFF  }
0xa6: {  	s26 =	simm.s32 $execute0_lowered;
	[smem:$0x3FD2] =	sst s25  }
0xa7: {  	s6 =	sshll.u32 s26, $0x1;
	_ =	strace $0x80000046;
	[dreg:$0x1] =	wrdreg $0xFFFFFFFF  }
0xa8: {  	s28 =	simm.s32 $_size_execute0_lowered;
	s4 =	sadd.s32 s4, s6;
	[dreg:$0x0] =	wrdreg $0x0  }
0xa9: {  	s6 =	sshll.u32 s28, $0x1;
	[dreg:$0x2] =	wrdreg s4  }
0xaa: {  	[dreg:$0x3] =	wrdreg s6  }
0xab: {  	[dreg:$0x4] =	wrdreg $0xC0  }
0xac: {  	_ =	task [dreg:s8], $0x5FFFF  }
0xad: {  	[dreg:$0x1] =	wrdreg $0xFFFFFFFF  }
0xae: {  	[dreg:$0x0] =	wrdreg $0x60  }
0xaf: {  	[dreg:$0x2] =	wrdreg s2  }
0xb0: {  	[dreg:$0x3] =	wrdreg s18  }
0xb1: {  	[dreg:$0x4] =	wrdreg s24  }
0xb2: {  	[dreg:$0x5] =	wrdreg $0x1B4000  }
0xb3: {  	[dreg:$0x6] =	wrdreg $0x9  }
0xb4: {  	_ =	task.clear_ibuf [dreg:s8], $0x7FFFF;
	_ =	strace $0x90000046  }
0xb5: {  	s29 =	simm.s32 $0x9;
	_ =	strace $0x80000048  }
0xb6: {  	_ =	swait.ge [sflag:s29], $0x1  }
0xb7: {  	[sflag:s29] =	ssyncadd.s32 $0xFFFFFFFF  }
0xb8: {  	_ =	strace $0x90000048  }
0xb9: {  	_ =	sfence  }
0xba: {  	s30 =	sld [smem:$0x0];
	_ =	sdelay $0x2  }
0xbb: {  	s31 =	sshll.u32 s1, $0xD;
	s1 =	sshrl.u32 s1, $0x2  }
0xbc: {  	s3 =	sand.u32 $0x4000, s31;
	s1 =	sadd.s32 s1, s30  }
0xbd: {  	s0 =	sor.u32 s3, s0;
	s1 =	sshll.u32 s1, $0x11  }
0xbe: {  	s0 =	sor.u32 s1, s0  }
0xbf: {  	s0 =	sadd.s32 $0x8F2B, s0  }
0xc0: {  	[sflag:s0] =	ssyncadd.remote.s32 $0x1  }
0xc1: {  	_ =	sfence.sel $0xFFFF  }
0xc2: {  	[dreg:$0x0] =	wrdreg $0xFFFFFFFF;
	(pc) =	sbr.abs _section_cstart, $3  }
0xc3: {  	[dreg:$0x1] =	wrdreg $0xFFFFFFFF  }
0xc4: {  	_ =	task.clear_ibuf [dreg:s8], $0x2FFFF;
	_ =	strace $0x9FFFFFFF  }
0xc5: {  	(tm) =	ssettm $0x7FFFFFFF  }
tec
execute0_lowered:
.L_overlay_start_1:
0x0: {  	(tag) =	ssettag $0x1  }
0x1: {  	s1 =	rddreg [dreg:$0x0]  }
0x2: {  	s0 =	rddreg [dreg:$0x1]  }
0x3: {  	s4 =	rddreg [dreg:$0x2]  }
0x4: {  	s2 =	rddreg [dreg:$0x3];
	s3 =	simm.s32 $0x0;
	s5 =	srdreg.scid  }
0x5: {  	s12 =	stileid.u32;
	s17 =	simm.s32 $0xE;
	s18 =	simm.s32 $0xD  }
0x6: {  	s19 =	simm.s32 $0xB;
	s20 =	simm.s32 $0xC;
	s23 =	simm.s32 $0x0  }
0x7: {  	[smem:$0x7FF] =	sst s3;
	s5 =	sand.u32 $0x1, s5;
	s10 =	smul.u32 $0x9000, s12  }
0x8: {  	s31 =	sshll.u32 s12, $0xD;
	s13 =	sshll.u32 s12, $0xA;
	_ =	strace $0x80000047  }
0x9: {  	s6 =	sshll.u32 s5, $0x4;
	s7 =	sshll.u32 s5, $0xE;
	s8 =	ssub.s32 $0x2, s5  }
0xa: {  	s6 =	sor.u32 s12, s6;
	s4 =	sadd.s32 s7, s4;
	s25 =	sshrl.u32 s8, $0x1  }
0xb: {  	s29 =	sshrl.u32 s10, $0x2;
	s26 =	sshll.u32 s6, $0xB;
	s9 =	sshll.u32 s6, $0x9  }
0xc: {  	s11 =	ssub.s32 s8, s25;
	s30 =	ssub.s32 $0x30E, s6;
	s4 =	sadd.s32 $0x600, s4  }
0xd: {  	s10 =	sor.u32 $0x60, s6;
	p0 =	sgt.u32 s6, $0xD;
	s5 =	sadd.s32 s1, s26  }
0xe: {  	s0 =	sadd.s32 s0, s9;
	s9 =	sadd.s32 s29, s2;
	[dreg:$0x5] =	wrdreg s30  }
0xf: {  	s11 =	smax.u32 s11, $0x1;
	s12 =	sshll.u32 s10, $0x7;
	s21 =	sadd.s32 s13, s4  }
0x10: {  	[dreg:$0x6] =	wrdreg s0;
	s28 =	sadd.s32 $0x10000, s5;
	s0 =	sadd.s32 s31, s2  }
0x11: {  	v0 =	vimm.f32 $0.0e+00;
	s8 =	sadd.s32 $0x20000, s5;
	[dreg:$0x7] =	wrdreg s28;
	s22 =	sshrl.u32 s0, $0x3  }
.LBB2_1:
0x12: {  	s0 =	rddreg [dreg:$0x6];
	s4 =	simm.s32 $0x18000  }
0x13: {  	[tilespmem:s4], [sflag:$0xD] =	stream.linear.gather [hbm4b:s0+s3], $0xC80, $0x38;
	[tilespmem:$0x1D800] =	vst v63  }
0x14: {  	_ = 	snop  }
0x15: {  	[tilespmem:s3], [sflag:$0x1] =	stream.linear.gather [hbm4b:s5+s3], $0x4000, $0x38;
	[tilespmem:$0x1D800] =	vst v63  }
0x16: {  	s29 =	rddreg [dreg:$0x7];
	s30 =	simm.s32 $0x4000  }
0x17: {  	[tilespmem:s30], [sflag:$0x2] =	stream.linear.gather [hbm4b:s29+s3], $0x4000, $0x38;
	[tilespmem:$0x1D800] =	vst v63  }
0x18: {  	s31 =	simm.s32 $0x8000;
	s0 =	simm.s32 $0x70;
	s4 =	simm.s32 $0x3C0  }
0x19: {  	[tilespmem:s31], [sflag:$0x3] =	stream.linear.gather [hbm4b:s8+s3], $0x4000, $0x38;
	[tilespmem:$0x1D800] =	vst v63  }
.LBB2_2:
0x1a: {  	p1 =	sne.s32 s4, $0x8FC0;
	[tilespmem:s0+$0x19000] =	vst v0  }
0x1b: {  	[tilespmem:s0+$0x18F90] =	vst v0  }
0x1c: {  	[tilespmem:s0+$0x18FA0] =	vst v0  }
.Ltmp0:
0x1d: {  	[tilespmem:s0+$0x18FB0] =	vst v0;
	(pc) =	sbr.rel @p1 .LBB2_2-.Ltmp0, $4  }
0x1e: {  	[tilespmem:s0+$0x18FC0] =	vst v0  }
0x1f: {  	[tilespmem:s0+$0x18FD0] =	vst v0  }
0x20: {  	[tilespmem:s0+$0x18FE0] =	vst v0  }
0x21: {  	[tilespmem:s0+$0x18FF0] =	vst v0;
	s0 =	sshra.s32 s4, $0x2;
	s4 =	sadd.s32 $0x200, s4  }
0x22: {  	[tilespmem:s0+$0x19000] =	vst v0  }
0x23: {  	[tilespmem:s0+$0x18F90] =	vst v0  }
0x24: {  	[tilespmem:s0+$0x18FA0] =	vst v0  }
0x25: {  	[tilespmem:s0+$0x18FB0] =	vst v0  }
0x26: {  	[tilespmem:s0+$0x18FC0] =	vst v0  }
0x27: {  	[tilespmem:s0+$0x18FD0] =	vst v0  }
0x28: {  	[tilespmem:s0+$0x18FE0] =	vst v0  }
0x29: {  	[tilespmem:s0+$0x18FF0] =	vst v0;
	s14 =	simm.s32 $0x19000;
	p1 =	por $0x1, $0x1  }
0x2a: {  	[spmem:s9] =	stream.linear.scatter [tilespmem:s14], [sflag:$0xE], $0x2400, $0x38;
	[tilespmem:$0x1D800] =	vst v63  }
0x2b: {  	s0 =	simm.s32 @!p1 $0xFFFFFFFD  }
0x2c: {  	s0 =	sand.u32 @!p1 $0xFF, s0  }
0x2d: {  	s4 =	sadd.s32 $0x0, s10;
	s0 =	smul.u32 @!p1 $0xAB, s0  }
0x2e: {  	s6 =	simm.s32 $0x3;
	p3 =	sgt.u32 s4, $0x30D;
	_ =	swait.ge [sflag:s17], $0x2400  }
0x2f: {  	s4 =	smul.u32 @!p3 $0xAB, s6;
	[sflag:s17] =	ssyncset.done $0x0;
	s0 =	sshrl.u32 @!p1 s0, $0xA  }
0x30: {  	[sflag:s17] =	ssyncadd.s32 $0xFFFFDC00;
	s0 =	smul.u32 @!p1 $0x6, s0  }
0x31: {  	s26 =	simm.s32 $0x18000;
	s14 =	smin.u32 @!p3 s12, $0x18620;
	[bflag:$0x0] =	sbarrier.arrive $0xFFFF  }
0x32: {  	s4 =	sshrl.u32 @!p3 s4, $0xA;
	_ =	swait.ge [sflag:s18], $0xC80;
	s0 =	ssub.s32 @!p1 $0xFFFFFFFD, s0  }
0x33: {  	s4 =	sand.u32 @!p3 $0x3F, s4;
	[sflag:s18] =	ssyncset.done $0x0;
	s0 =	sand.u32 @!p1 $0xFF, s0  }
0x34: {  	s4 =	smul.u32 @!p3 $0x6, s4;
	[sflag:s18] =	ssyncadd.s32 $0xFFFFF380;
	s0 =	sadd.s32 @!p1 $0x7, s0  }
0x35: {  	s6 =	simm.s32 $0x0;
	s14 =	sshll.u32 @!p3 s14, $0x4;
	_ =	swait.ge @!p1 [sflag:s0], $0x4000  }
0x36: {  	s14 =	sadd.s32 @!p3 s1, s14;
	s4 =	ssub.s32 @!p3 $0x3, s4;
	[sflag:s0] =	ssyncset.done @!p1 $0x0  }
0x37: {  	s4 =	sand.u32 @!p3 $0xFF, s4;
	s13 =	rddreg [dreg:$0x5];
	[sflag:s0] =	ssyncadd.s32 @!p1 $0xFFFFC000  }
0x38: {  	s0 =	sshll.u32 @!p3 s4, $0xE;
	s4 =	sadd.s32 @!p3 $0x1, s4;
	p2 =	sle.u32 s13, $0x0  }
0x39: {  	p1 =	por $0x1, $0x1;
	s13 =	simm.s32 @!p3 $0x0;
	s6 =	smul.u32 @!p2 $0xAB, s6  }
0x3a: {  	[tilespmem:s0], [sflag:s4] =	stream.linear.gather @!p3 [hbm4b:s14+s13], $0x4000, $0x38;
	[tilespmem:$0x1D800] =	vst v63  }
0x3b: {  	s25 =	simm.s32 $0x1;
	s29 =	simm.s32 $0x2;
	s0 =	simm.s32 @!p1 $0xFFFFFFFE  }
0x3c: {  	s24 =	simm.s32 $0x18080;
	s0 =	sand.u32 @!p1 $0xFF, s0;
	s4 =	sshrl.u32 @!p2 s6, $0xA  }
0x3d: {  	s30 =	sadd.s32 $0x1000, s12;
	s0 =	smul.u32 @!p1 $0xAB, s0;
	s4 =	sand.u32 @!p2 $0x3F, s4  }
0x3e: {  	s31 =	simm.s32 $0x4;
	s28 =	simm.s32 $0x20;
	s4 =	smul.u32 @!p2 $0x6, s4  }
0x3f: {  	s15 =	sadd.s32 $0x20, s10;
	s13 =	simm.s32 @!p2 $0x80;
	s0 =	sshrl.u32 @!p1 s0, $0xA  }
0x40: {  	p3 =	sgt.u32 s15, $0x30D;
	s16 =	smul.u32 @!p1 $0x6, s0;
	s4 =	ssub.s32 @!p2 $0x0, s4  }
0x41: {  	s15 =	smul.u32 @!p3 $0xAB, s31;
	s0 =	smin.u32 @!p3 s30, $0x18620;
	s14 =	sand.u32 @!p2 $0xFF, s4  }
0x42: {  	s6 =	ssub.s32 @!p1 $0xFFFFFFFE, s16;
	s4 =	sadd.s32 @!p2 $0x1, s14;
	s16 =	sshll.u32 @!p2 s14, $0xE  }
.LBB2_4:
0x43: {  	s6 =	sand.u32 @!p1 $0xFF, s6  }
0x44: {  	_ =	swait.ge @!p2 [sflag:s4], $0x4000;
	s7 =	smov.u32 s25;
	s25 =	smov.u32 s29  }
0x45: {  	s0 =	sshll.u32 @!p3 s0, $0x4;
	s15 =	sshrl.u32 @!p3 s15, $0xA;
	s6 =	sadd.s32 @!p1 $0x7, s6  }
0x46: {  	[sflag:s4] =	ssyncset.done @!p2 $0x0;
	s0 =	sadd.s32 @!p3 s1, s0;
	s15 =	sand.u32 @!p3 $0x3F, s15  }
0x47: {  	[sflag:s4] =	ssyncadd.s32 @!p2 $0xFFFFC000;
	s4 =	sadd.s32 @!p2 $0x7, s14;
	s15 =	smul.u32 @!p3 $0x6, s15  }
0x48: {  	[spmem:s2] =	stream.indirect.scatter.add.f32 @!p2 [tilespmem:s16], [sflag:s4], $0x80, s26, s13, $0xb8;
	[tilespmem:$0x1D800] =	vst v63  }
0x49: {  	s13 =	simm.s32 @!p3 $0x0;
	_ =	swait.ge @!p1 [sflag:s6], $0x4000;
	s4 =	ssub.s32 @!p3 s31, s15  }
0x4a: {  	[sflag:s6] =	ssyncset.done @!p1 $0x0;
	s15 =	rddreg [dreg:$0x5];
	s4 =	sand.u32 @!p3 $0xFF, s4  }
0x4b: {  	[sflag:s6] =	ssyncadd.s32 @!p1 $0xFFFFC000;
	p2 =	sge.u32 s28, s15;
	p1 =	slt.u32 s25, $0x3  }
0x4c: {  	s6 =	sshll.u32 @!p3 s4, $0xE;
	s4 =	sadd.s32 @!p3 $0x1, s4;
	s14 =	smul.u32 @!p2 $0xAB, s7  }
0x4d: {  	[tilespmem:s6], [sflag:s4] =	stream.linear.gather @!p3 [hbm4b:s0+s13], $0x4000, $0x38;
	[tilespmem:$0x1D800] =	vst v63  }
0x4e: {  	s29 =	sadd.s32 $0x1, s29;
	s4 =	sadd.s32 @!p1 $0xFFFFFFFD, s25  }
0x4f: {  	s30 =	sadd.s32 $0x1000, s30;
	s0 =	sshrl.u32 @!p2 s14, $0xA;
	s6 =	sand.u32 @!p1 $0xFF, s4  }
0x50: {  	p4 =	sne.s32 s29, $0x19;
	s0 =	sand.u32 @!p2 $0x3F, s0;
	s6 =	smul.u32 @!p1 $0xAB, s6  }
0x51: {  	s26 =	smov.u32 s24;
	s24 =	sadd.s32 $0x80, s24;
	s0 =	smul.u32 @!p2 $0x6, s0  }
.Ltmp1:
0x52: {  	s31 =	sadd.s32 $0x3, s25;
	s28 =	sadd.s32 $0x20, s28;
	(pc) =	sbr.rel @p4 .LBB2_4-.Ltmp1, $4  }
0x53: {  	s16 =	sadd.s32 s28, s10;
	s13 =	simm.s32 @!p2 $0x80;
	s6 =	sshrl.u32 @!p1 s6, $0xA  }
0x54: {  	p3 =	sgt.u32 s16, $0x30D;
	s6 =	smul.u32 @!p1 $0x6, s6;
	s7 =	ssub.s32 @!p2 s7, s0  }
0x55: {  	s15 =	smul.u32 @!p3 $0xAB, s31;
	s0 =	smin.u32 @!p3 s30, $0x18620;
	s14 =	sand.u32 @!p2 $0xFF, s7  }
0x56: {  	s6 =	ssub.s32 @!p1 s4, s6;
	s4 =	sadd.s32 @!p2 $0x1, s14;
	s16 =	sshll.u32 @!p2 s14, $0xE  }
0x57: {  	_ =	swait.ge @!p2 [sflag:s4], $0x4000  }
0x58: {  	s6 =	sand.u32 @!p1 $0xFF, s6;
	[sflag:s4] =	ssyncset.done @!p2 $0x0  }
0x59: {  	s6 =	sadd.s32 @!p1 $0x7, s6;
	[sflag:s4] =	ssyncadd.s32 @!p2 $0xFFFFC000;
	s4 =	sadd.s32 @!p2 $0x7, s14  }
0x5a: {  	[spmem:s2] =	stream.indirect.scatter.add.f32 @!p2 [tilespmem:s16], [sflag:s4], $0x80, s26, s13, $0xb8;
	[tilespmem:$0x1D800] =	vst v63  }
0x5b: {  	s7 =	sshrl.u32 @!p3 s15, $0xA;
	_ =	swait.ge @!p1 [sflag:s6], $0x4000  }
0x5c: {  	s7 =	sand.u32 @!p3 $0x3F, s7;
	s30 =	rddreg [dreg:$0x5]  }
0x5d: {  	s7 =	smul.u32 @!p3 $0x6, s7;
	p2 =	sge.u32 s28, s30  }
0x5e: {  	s0 =	sshll.u32 @!p3 s0, $0x4;
	s4 =	smul.u32 @!p2 $0xAB, s25  }
0x5f: {  	s0 =	sadd.s32 @!p3 s1, s0;
	s13 =	simm.s32 @!p3 $0x0  }
0x60: {  	s7 =	ssub.s32 @!p3 s31, s7;
	[sflag:s6] =	ssyncset.done @!p1 $0x0;
	s4 =	sshrl.u32 @!p2 s4, $0xA  }
0x61: {  	s7 =	sand.u32 @!p3 $0xFF, s7;
	[sflag:s6] =	ssyncadd.s32 @!p1 $0xFFFFC000;
	s4 =	sand.u32 @!p2 $0x3F, s4  }
0x62: {  	s6 =	sshll.u32 @!p3 s7, $0xE;
	s7 =	sadd.s32 @!p3 $0x1, s7;
	s4 =	smul.u32 @!p2 $0x6, s4  }
0x63: {  	[tilespmem:s6], [sflag:s7] =	stream.linear.gather @!p3 [hbm4b:s0+s13], $0x4000, $0x38;
	[tilespmem:$0x1D800] =	vst v63  }
0x64: {  	s0 =	ssub.s32 @!p2 s25, s4  }
0x65: {  	s0 =	sand.u32 @!p2 $0xFF, s0  }
0x66: {  	s4 =	sadd.s32 @!p2 $0x1, s0  }
0x67: {  	_ =	swait.ge @!p2 [sflag:s4], $0x4000  }
0x68: {  	s6 =	simm.s32 @!p2 $0x80;
	[sflag:s4] =	ssyncset.done @!p2 $0x0  }
0x69: {  	s7 =	sshll.u32 @!p2 s0, $0xE;
	s0 =	sadd.s32 @!p2 $0x7, s0;
	[sflag:s4] =	ssyncadd.s32 @!p2 $0xFFFFC000  }
0x6a: {  	[spmem:s2] =	stream.indirect.scatter.add.f32 @!p2 [tilespmem:s7], [sflag:s0], $0x80, s24, s6, $0xb8;
	[tilespmem:$0x1D800] =	vst v63  }
0x6b: {  	_ =	swait.ge [sflag:s19], $0x4000  }
0x6c: {  	[sflag:s19] =	ssyncset.done $0x0  }
0x6d: {  	[sflag:s19] =	ssyncadd.s32 $0xFFFFC000  }
0x6e: {  	_ =	swait.ge [sflag:s20], $0x4000  }
0x6f: {  	[sflag:s20] =	ssyncset.done $0x0  }
0x70: {  	s0 =	simm.s32 @!p0 $0x7;
	[sflag:s20] =	ssyncadd.s32 $0xFFFFC000  }
0x71: {  	_ =	swait.ge @!p0 [sflag:s0], $0x4000  }
0x72: {  	s23 =	sadd.s32 $0x1, s23;
	s31 =	stileid.u32;
	[sflag:s0] =	ssyncset.done @!p0 $0x0  }
0x73: {  	p1 =	sne.s32 s23, s11;
	[sflag:s0] =	ssyncadd.s32 @!p0 $0xFFFFC000;
	s0 =	sshll.u32 s31, $0x6  }
.Ltmp2:
0x74: {  	[bflag:$0x0] =	sbarrier.arrive $0xFFFF;
	s0 =	sor.u32 $0x1C0E, s0;
	(pc) =	sbr.rel @p1 .LBB2_1-.Ltmp2, $4  }
0x75: {  	[hbm:s21], [sflag:s0] =	dma.local [spmem:s22], $0x400  }
0x76: {  	_ =	swait.ge [sflag:s17], $0x400  }
0x77: {  	[sflag:s17] =	ssyncset.done $0x0  }
0x78: {  	[sflag:s17] =	ssyncadd.s32 $0xFFFFFC00  }
0x79: {  	_ =	sfence.sel $0x180000  }
0x7a: {  	[bflag:$0x0] =	sbarrier.arrive $0xFFFF  }
0x7b: {  	_ =	strace $0x90000047  }
0x7c: {  	s0 =	stileid.u32;
	[bflag:$0x2] =	sbarrier.arrive $0xFFFF  }
0x7d: {  	p0 =	sne.s32 s0, $0x0;
	s0 =	rddreg [dreg:$0x4]  }
0x7e: {  	s0 =	sadd.s32 @!p0 $0x100000, s0  }
0x7f: {  	[sflag:s0] =	ssyncadd.tile.s32 @!p0 $0x1;
	_ =	shalt  }
.Lfunc_end2:
_tile_overlayer_lowered:
.L_overlay_start_2:
0x80: {  	(tag) =	ssettag $0x2  }
0x81: {  	s0 =	rddreg [dreg:$0x0];
	s2 =	stileid.u32  }
0x82: {  	s1 =	rddreg [dreg:$0x1];
	p0 =	sne.s32 s2, $0x0  }
0x83: {  	s3 =	rddreg [dreg:$0x2];
	[bflag:$0x3] =	sbarrier.arrive $0xFFFF;
	s2 =	simm.s32 @!p0 $0x1C0E  }
0x84: {  	[timem:s3], [sflag:s2] =	dma.local @!p0 [hbm:s0], s1  }
0x85: {  	s0 =	simm.s32 @!p0 $0xE  }
0x86: {  	_ =	swait.ge @!p0 [sflag:s0], s1  }
0x87: {  	s1 =	ssub.s32 @!p0 $0x0, s1;
	[sflag:s0] =	ssyncset.done @!p0 $0x0  }
0x88: {  	[sflag:s0] =	ssyncadd.s32 @!p0 s1  }
0x89: {  	[bflag:$0x3] =	sbarrier.arrive $0xFFFF  }
0x8a: {  	_ =	shalt  }

</sc_bundles>
